<compile_context>
chip_gen: v7x
topology: tpu7x:2x2x1
jax: 0.10.2.dev20260603
libtpu: 0.0.44.dev20260713+nightly
codegen_flags: <defaults>
</compile_context>

<pallas_src>
import functools

import jax
import jax.numpy as jnp
from jax import lax
from jax.experimental import pallas as pl
from jax.experimental.pallas import tpu as pltpu
from jax.experimental.pallas import tpu_sc as plsc

_HIDDEN = 768
_EXPERTS = 8
_BLOCK = 4096
_LANES = 16


def _logits_kernel(x_ref, w_ref, b_ref, lt_ref):
    x = x_ref[...]
    w = w_ref[...]
    b = b_ref[...]
    logits = jax.lax.dot_general(
        x, w, (((1,), (1,)), ((), ())),
        preferred_element_type=jnp.float32)
    lt_ref[...] = logits.T + b.T


def _tc_logits(x):
    n = x.shape[0]
    return pl.pallas_call(
        _logits_kernel,
        grid=(n // _BLOCK,),
        in_specs=[
            pl.BlockSpec((_BLOCK, _HIDDEN), lambda i: (i, 0)),
            pl.BlockSpec((_EXPERTS, _HIDDEN), lambda i: (0, 0)),
            pl.BlockSpec((1, _EXPERTS), lambda i: (0, 0)),
        ],
        out_specs=pl.BlockSpec((_EXPERTS, _BLOCK), lambda i: (0, i)),
        out_shape=jax.ShapeDtypeStruct((_EXPERTS, n), jnp.float32),
    )


def _make_sc_router(n):
    info = plsc.get_sparse_core_info()
    nw = info.num_cores * info.num_subcores
    chunk = n // nw
    mesh = plsc.VectorSubcoreMesh(core_axis_name="c", subcore_axis_name="s")

    @functools.partial(
        pl.kernel, mesh=mesh,
        out_type=[
            jax.ShapeDtypeStruct((_EXPERTS, n), jnp.float32),
            jax.ShapeDtypeStruct((2, n), jnp.int32),
        ],
        scratch_types=[
            pltpu.VMEM((_EXPERTS, chunk), jnp.float32),
            pltpu.VMEM((_EXPERTS, chunk), jnp.float32),
            pltpu.VMEM((2, chunk), jnp.int32),
        ],
    )
    def _router(lt_hbm, scores_hbm, idx_hbm, lt_v, sc_v, ix_v):
        wid = lax.axis_index("s") * info.num_cores + lax.axis_index("c")
        base = wid * chunk
        pltpu.sync_copy(lt_hbm.at[:, pl.ds(base, chunk)], lt_v)

        def body(g, carry):
            o = g * _LANES
            sl = pl.ds(o, _LANES)
            m1 = lt_v[0, sl]
            a1 = jnp.zeros((_LANES,), jnp.int32)
            for e in range(1, _EXPERTS):
                v = lt_v[e, sl]
                upd = v > m1
                m1 = jnp.where(upd, v, m1)
                a1 = jnp.where(upd, e, a1)
            m2 = jnp.full((_LANES,), -jnp.inf, jnp.float32)
            a2 = jnp.zeros((_LANES,), jnp.int32)
            for e in range(_EXPERTS):
                v = jnp.where(a1 == e, -jnp.inf, lt_v[e, sl])
                upd = v > m2
                m2 = jnp.where(upd, v, m2)
                a2 = jnp.where(upd, e, a2)
            e2 = jnp.exp(m2 - m1)
            denom = 1.0 + e2
            p1 = 1.0 / denom
            p2 = e2 / denom
            for e in range(_EXPERTS):
                sc_v[e, sl] = jnp.where(a1 == e, p1,
                                        jnp.where(a2 == e, p2, 0.0))
            ix_v[0, sl] = a1
            ix_v[1, sl] = a2
            return carry

        lax.fori_loop(0, chunk // _LANES, body, 0)
        pltpu.sync_copy(sc_v, scores_hbm.at[:, pl.ds(base, chunk)])
        pltpu.sync_copy(ix_v, idx_hbm.at[:, pl.ds(base, chunk)])

    return _router


def kernel(hidden_states, weight, bias):
    x = hidden_states.reshape(-1, _HIDDEN)
    n = x.shape[0]
    lt = _tc_logits(x)(x, weight, bias.reshape(1, _EXPERTS))
    scores_t, idx_t = _make_sc_router(n)(lt)
    return scores_t.T, idx_t.T

# --- scband reference (transcript-rebuilt; emitter-appended) ---
"""Pipeline reference for scband-rblngpt-oss-top-krouter-46231027974602 (READ-ONLY COPY).

The authoritative reference and input builder live on the scoring server;
editing this copy changes nothing except your own understanding.
"""

import jax, jax.numpy as jnp
import numpy as np

HIDDEN_DIM = 768
NUM_EXPERTS = 8
TOP_K = 2
N_TOKENS = 32768


def setup_inputs(seed: int = 0) -> dict:
    key = jax.random.key(seed)
    k1, k2, k3 = jax.random.split(key, 3)
    hidden_states = jax.random.normal(k1, (N_TOKENS, HIDDEN_DIM), dtype=jnp.float32)
    weight = jax.random.normal(k2, (NUM_EXPERTS, HIDDEN_DIM), dtype=jnp.float32) * 0.02
    bias = jax.random.normal(k3, (NUM_EXPERTS,), dtype=jnp.float32) * 0.02
    return {"hidden_states": hidden_states, "weight": weight, "bias": bias}


def reference(hidden_states, weight, bias):
    x = hidden_states.reshape(-1, HIDDEN_DIM)
    router_logits = x @ weight.T + bias
    router_top_value, router_indices = jax.lax.top_k(router_logits, TOP_K)
    router_top_value = jax.nn.softmax(router_top_value, axis=1)
    rows = jnp.arange(x.shape[0])[:, None]
    router_scores = jnp.zeros_like(router_logits).at[rows, router_indices].set(router_top_value)
    return (router_scores, router_indices)

if __name__ == "__main__":
    import jax
    _d = setup_inputs()
    print(jax.jit(kernel)(*tuple(_d.values())))

</pallas_src>

<mosaic_0001>
#map = affine_map<(d0, d1) -> (0, 0)>
module attributes {stable_mosaic.version = 14 : i64} {
  func.func @_router(%arg0: i32, %arg1: i32, %arg2: memref<8x32768xf32, #tpu.memory_space<hbm>>, %arg3: memref<8x32768xf32, #tpu.memory_space<hbm>>, %arg4: memref<2x32768xi32, #tpu.memory_space<hbm>>, %arg5: memref<8x1024xf32, #tpu.memory_space<vmem>>, %arg6: memref<8x1024xf32, #tpu.memory_space<vmem>>, %arg7: memref<2x1024xi32, #tpu.memory_space<vmem>>) attributes {dimension_semantics = [#tpu.dimension_semantics<core_parallel>, #tpu.dimension_semantics<subcore_parallel>], iteration_bounds = array<i64: 2, 16>, scalar_prefetch = 0 : i64, scratch_operands = 3 : i64, tpu.core_type = #tpu.core_type<sc_vector_subcore>, window_params = [{transform_indices = #map}, {transform_indices = #map}, {transform_indices = #map}]} {
    %mul3A = arith.constant 2 : i32
    %mul3A_0 = arith.muli %arg1, %mul3A : i32
    %add3A = arith.addi %mul3A_0, %arg0 : i32
    %mul3A_1 = arith.constant 1024 : i32
    %mul3A_2 = arith.muli %add3A, %mul3A_1 : i32
    "tpu.region"() ({
      %run_scoped3A = tpu.sem_alloc : memref<!tpu.dma_semaphore, #tpu.memory_space<semaphore_mem>>
      %dma_start3A = arith.constant 0 : i32
      %dma_start3A_8 = tpu.memref_slice %arg2[%dma_start3A, %mul3A_2] : memref<8x32768xf32, #tpu.memory_space<hbm>> -> memref<8x1024xf32, #tpu.memory_space<hbm>>
      %dma_start3A_9 = arith.constant 0 : i32
      %dma_start3A_10 = tpu.memref_slice %arg2[%dma_start3A_9, %mul3A_2] : memref<8x32768xf32, #tpu.memory_space<hbm>> -> memref<8x1024xf32, #tpu.memory_space<hbm>>
      tpu.enqueue_dma source(%dma_start3A_10 : memref<8x1024xf32, #tpu.memory_space<hbm>>) target(%arg5 : memref<8x1024xf32, #tpu.memory_space<vmem>>) target_semaphore(%run_scoped3A : memref<!tpu.dma_semaphore, #tpu.memory_space<semaphore_mem>>)
      %dma_wait3A = arith.constant 0 : i32
      %dma_wait3A_11 = tpu.memref_slice %arg2[%dma_wait3A, %mul3A_2] : memref<8x32768xf32, #tpu.memory_space<hbm>> -> memref<8x1024xf32, #tpu.memory_space<hbm>>
      %dma_wait3A_12 = arith.constant 0 : i32
      %dma_wait3A_13 = tpu.memref_slice %arg2[%dma_wait3A_12, %mul3A_2] : memref<8x32768xf32, #tpu.memory_space<hbm>> -> memref<8x1024xf32, #tpu.memory_space<hbm>>
      tpu.wait_dma2 semaphore(%run_scoped3A : memref<!tpu.dma_semaphore, #tpu.memory_space<semaphore_mem>>) src(%dma_wait3A_13 : memref<8x1024xf32, #tpu.memory_space<hbm>>) dst(%arg5 : memref<8x1024xf32, #tpu.memory_space<vmem>>)
      tpu.yield
    }) : () -> ()
    %scan3A = arith.constant 0 : i32
    %scan3A_3 = arith.constant 0 : i32
    %scan3A_4 = arith.constant 64 : i32
    %scan3A_5 = arith.addi %scan3A_3, %scan3A_4 : i32
    %scan3A_6 = arith.constant 1 : i32
    scf.for %scan3A_8 = %scan3A_3 to %scan3A_5 step %scan3A_6  : i32 {
      %mul3A_9 = arith.constant 16 : i32
      %mul3A_10 = arith.muli %scan3A_8, %mul3A_9 : i32
      %get3A = arith.constant 0 : i32
      %get3A_11 = arith.index_cast %get3A : i32 to index
      %get3A_12 = arith.index_cast %mul3A_10 : i32 to index
      %get3A_13 = tpu.vector_load %arg5[%get3A_11, %get3A_12] {strides = array<i32>} : memref<8x1024xf32, #tpu.memory_space<vmem>>, vector<1x16xf32>,
      %get3A_14 = vector.shape_cast %get3A_13 : vector<1x16xf32> to vector<16xf32>
      %broadcast_in_dim3A = arith.constant 0 : i32
      %broadcast_in_dim3A_15 = vector.broadcast %broadcast_in_dim3A : i32 to vector<16xi32>
      %get3A_16 = arith.constant 1 : i32
      %get3A_17 = arith.index_cast %get3A_16 : i32 to index
      %get3A_18 = arith.index_cast %mul3A_10 : i32 to index
      %get3A_19 = tpu.vector_load %arg5[%get3A_17, %get3A_18] {strides = array<i32>} : memref<8x1024xf32, #tpu.memory_space<vmem>>, vector<1x16xf32>,
      %get3A_20 = vector.shape_cast %get3A_19 : vector<1x16xf32> to vector<16xf32>
      %gt3A = arith.cmpf ogt, %get3A_20, %get3A_14 : vector<16xf32>
      %select_n3A = arith.select %gt3A, %get3A_20, %get3A_14 : vector<16xi1>, vector<16xf32>
      %jit3A = arith.constant 1 : i32
      %broadcast_in_dim3A_21 = vector.broadcast %jit3A : i32 to vector<16xi32>
      %select_n3A_22 = arith.select %gt3A, %broadcast_in_dim3A_21, %broadcast_in_dim3A_15 : vector<16xi1>, vector<16xi32>
      %get3A_23 = arith.constant 2 : i32
      %get3A_24 = arith.index_cast %get3A_23 : i32 to index
      %get3A_25 = arith.index_cast %mul3A_10 : i32 to index
      %get3A_26 = tpu.vector_load %arg5[%get3A_24, %get3A_25] {strides = array<i32>} : memref<8x1024xf32, #tpu.memory_space<vmem>>, vector<1x16xf32>,
      %get3A_27 = vector.shape_cast %get3A_26 : vector<1x16xf32> to vector<16xf32>
      %gt3A_28 = arith.cmpf ogt, %get3A_27, %select_n3A : vector<16xf32>
      %select_n3A_29 = arith.select %gt3A_28, %get3A_27, %select_n3A : vector<16xi1>, vector<16xf32>
      %jit3A_30 = arith.constant 2 : i32
      %broadcast_in_dim3A_31 = vector.broadcast %jit3A_30 : i32 to vector<16xi32>
      %select_n3A_32 = arith.select %gt3A_28, %broadcast_in_dim3A_31, %select_n3A_22 : vector<16xi1>, vector<16xi32>
      %get3A_33 = arith.constant 3 : i32
      %get3A_34 = arith.index_cast %get3A_33 : i32 to index
      %get3A_35 = arith.index_cast %mul3A_10 : i32 to index
      %get3A_36 = tpu.vector_load %arg5[%get3A_34, %get3A_35] {strides = array<i32>} : memref<8x1024xf32, #tpu.memory_space<vmem>>, vector<1x16xf32>,
      %get3A_37 = vector.shape_cast %get3A_36 : vector<1x16xf32> to vector<16xf32>
      %gt3A_38 = arith.cmpf ogt, %get3A_37, %select_n3A_29 : vector<16xf32>
      %select_n3A_39 = arith.select %gt3A_38, %get3A_37, %select_n3A_29 : vector<16xi1>, vector<16xf32>
      %jit3A_40 = arith.constant 3 : i32
      %broadcast_in_dim3A_41 = vector.broadcast %jit3A_40 : i32 to vector<16xi32>
      %select_n3A_42 = arith.select %gt3A_38, %broadcast_in_dim3A_41, %select_n3A_32 : vector<16xi1>, vector<16xi32>
      %get3A_43 = arith.constant 4 : i32
      %get3A_44 = arith.index_cast %get3A_43 : i32 to index
      %get3A_45 = arith.index_cast %mul3A_10 : i32 to index
      %get3A_46 = tpu.vector_load %arg5[%get3A_44, %get3A_45] {strides = array<i32>} : memref<8x1024xf32, #tpu.memory_space<vmem>>, vector<1x16xf32>,
      %get3A_47 = vector.shape_cast %get3A_46 : vector<1x16xf32> to vector<16xf32>
      %gt3A_48 = arith.cmpf ogt, %get3A_47, %select_n3A_39 : vector<16xf32>
      %select_n3A_49 = arith.select %gt3A_48, %get3A_47, %select_n3A_39 : vector<16xi1>, vector<16xf32>
      %jit3A_50 = arith.constant 4 : i32
      %broadcast_in_dim3A_51 = vector.broadcast %jit3A_50 : i32 to vector<16xi32>
      %select_n3A_52 = arith.select %gt3A_48, %broadcast_in_dim3A_51, %select_n3A_42 : vector<16xi1>, vector<16xi32>
      %get3A_53 = arith.constant 5 : i32
      %get3A_54 = arith.index_cast %get3A_53 : i32 to index
      %get3A_55 = arith.index_cast %mul3A_10 : i32 to index
      %get3A_56 = tpu.vector_load %arg5[%get3A_54, %get3A_55] {strides = array<i32>} : memref<8x1024xf32, #tpu.memory_space<vmem>>, vector<1x16xf32>,
      %get3A_57 = vector.shape_cast %get3A_56 : vector<1x16xf32> to vector<16xf32>
      %gt3A_58 = arith.cmpf ogt, %get3A_57, %select_n3A_49 : vector<16xf32>
      %select_n3A_59 = arith.select %gt3A_58, %get3A_57, %select_n3A_49 : vector<16xi1>, vector<16xf32>
      %jit3A_60 = arith.constant 5 : i32
      %broadcast_in_dim3A_61 = vector.broadcast %jit3A_60 : i32 to vector<16xi32>
      %select_n3A_62 = arith.select %gt3A_58, %broadcast_in_dim3A_61, %select_n3A_52 : vector<16xi1>, vector<16xi32>
      %get3A_63 = arith.constant 6 : i32
      %get3A_64 = arith.index_cast %get3A_63 : i32 to index
      %get3A_65 = arith.index_cast %mul3A_10 : i32 to index
      %get3A_66 = tpu.vector_load %arg5[%get3A_64, %get3A_65] {strides = array<i32>} : memref<8x1024xf32, #tpu.memory_space<vmem>>, vector<1x16xf32>,
      %get3A_67 = vector.shape_cast %get3A_66 : vector<1x16xf32> to vector<16xf32>
      %gt3A_68 = arith.cmpf ogt, %get3A_67, %select_n3A_59 : vector<16xf32>
      %select_n3A_69 = arith.select %gt3A_68, %get3A_67, %select_n3A_59 : vector<16xi1>, vector<16xf32>
      %jit3A_70 = arith.constant 6 : i32
      %broadcast_in_dim3A_71 = vector.broadcast %jit3A_70 : i32 to vector<16xi32>
      %select_n3A_72 = arith.select %gt3A_68, %broadcast_in_dim3A_71, %select_n3A_62 : vector<16xi1>, vector<16xi32>
      %get3A_73 = arith.constant 7 : i32
      %get3A_74 = arith.index_cast %get3A_73 : i32 to index
      %get3A_75 = arith.index_cast %mul3A_10 : i32 to index
      %get3A_76 = tpu.vector_load %arg5[%get3A_74, %get3A_75] {strides = array<i32>} : memref<8x1024xf32, #tpu.memory_space<vmem>>, vector<1x16xf32>,
      %get3A_77 = vector.shape_cast %get3A_76 : vector<1x16xf32> to vector<16xf32>
      %gt3A_78 = arith.cmpf ogt, %get3A_77, %select_n3A_69 : vector<16xf32>
      %select_n3A_79 = arith.select %gt3A_78, %get3A_77, %select_n3A_69 : vector<16xi1>, vector<16xf32>
      %jit3A_80 = arith.constant 7 : i32
      %broadcast_in_dim3A_81 = vector.broadcast %jit3A_80 : i32 to vector<16xi32>
      %select_n3A_82 = arith.select %gt3A_78, %broadcast_in_dim3A_81, %select_n3A_72 : vector<16xi1>, vector<16xi32>
      %broadcast_in_dim3A_83 = arith.constant 0xFF800000 : f32
      %broadcast_in_dim3A_84 = vector.broadcast %broadcast_in_dim3A_83 : f32 to vector<16xf32>
      %broadcast_in_dim3A_85 = arith.constant 0 : i32
      %broadcast_in_dim3A_86 = vector.broadcast %broadcast_in_dim3A_85 : i32 to vector<16xi32>
      %eq3A = arith.constant 0 : i32
      %eq3A_87 = vector.broadcast %eq3A : i32 to vector<16xi32>
      %eq3A_88 = arith.cmpi eq, %select_n3A_82, %eq3A_87 : vector<16xi32>
      %get3A_89 = arith.constant 0 : i32
      %get3A_90 = arith.index_cast %get3A_89 : i32 to index
      %get3A_91 = arith.index_cast %mul3A_10 : i32 to index
      %get3A_92 = tpu.vector_load %arg5[%get3A_90, %get3A_91] {strides = array<i32>} : memref<8x1024xf32, #tpu.memory_space<vmem>>, vector<1x16xf32>,
      %get3A_93 = vector.shape_cast %get3A_92 : vector<1x16xf32> to vector<16xf32>
      %jit3A_94 = arith.constant 0xFF800000 : f32
      %broadcast_in_dim3A_95 = vector.broadcast %jit3A_94 : f32 to vector<16xf32>
      %select_n3A_96 = arith.select %eq3A_88, %broadcast_in_dim3A_95, %get3A_93 : vector<16xi1>, vector<16xf32>
      %gt3A_97 = arith.cmpf ogt, %select_n3A_96, %broadcast_in_dim3A_84 : vector<16xf32>
      %select_n3A_98 = arith.select %gt3A_97, %select_n3A_96, %broadcast_in_dim3A_84 : vector<16xi1>, vector<16xf32>
      %jit3A_99 = arith.constant 0 : i32
      %broadcast_in_dim3A_100 = vector.broadcast %jit3A_99 : i32 to vector<16xi32>
      %select_n3A_101 = arith.select %gt3A_97, %broadcast_in_dim3A_100, %broadcast_in_dim3A_86 : vector<16xi1>, vector<16xi32>
      %eq3A_102 = arith.constant 1 : i32
      %eq3A_103 = vector.broadcast %eq3A_102 : i32 to vector<16xi32>
      %eq3A_104 = arith.cmpi eq, %select_n3A_82, %eq3A_103 : vector<16xi32>
      %get3A_105 = arith.constant 1 : i32
      %get3A_106 = arith.index_cast %get3A_105 : i32 to index
      %get3A_107 = arith.index_cast %mul3A_10 : i32 to index
      %get3A_108 = tpu.vector_load %arg5[%get3A_106, %get3A_107] {strides = array<i32>} : memref<8x1024xf32, #tpu.memory_space<vmem>>, vector<1x16xf32>,
      %get3A_109 = vector.shape_cast %get3A_108 : vector<1x16xf32> to vector<16xf32>
      %jit3A_110 = arith.constant 0xFF800000 : f32
      %broadcast_in_dim3A_111 = vector.broadcast %jit3A_110 : f32 to vector<16xf32>
      %select_n3A_112 = arith.select %eq3A_104, %broadcast_in_dim3A_111, %get3A_109 : vector<16xi1>, vector<16xf32>
      %gt3A_113 = arith.cmpf ogt, %select_n3A_112, %select_n3A_98 : vector<16xf32>
      %select_n3A_114 = arith.select %gt3A_113, %select_n3A_112, %select_n3A_98 : vector<16xi1>, vector<16xf32>
      %jit3A_115 = arith.constant 1 : i32
      %broadcast_in_dim3A_116 = vector.broadcast %jit3A_115 : i32 to vector<16xi32>
      %select_n3A_117 = arith.select %gt3A_113, %broadcast_in_dim3A_116, %select_n3A_101 : vector<16xi1>, vector<16xi32>
      %eq3A_118 = arith.constant 2 : i32
      %eq3A_119 = vector.broadcast %eq3A_118 : i32 to vector<16xi32>
      %eq3A_120 = arith.cmpi eq, %select_n3A_82, %eq3A_119 : vector<16xi32>
      %get3A_121 = arith.constant 2 : i32
      %get3A_122 = arith.index_cast %get3A_121 : i32 to index
      %get3A_123 = arith.index_cast %mul3A_10 : i32 to index
      %get3A_124 = tpu.vector_load %arg5[%get3A_122, %get3A_123] {strides = array<i32>} : memref<8x1024xf32, #tpu.memory_space<vmem>>, vector<1x16xf32>,
      %get3A_125 = vector.shape_cast %get3A_124 : vector<1x16xf32> to vector<16xf32>
      %jit3A_126 = arith.constant 0xFF800000 : f32
      %broadcast_in_dim3A_127 = vector.broadcast %jit3A_126 : f32 to vector<16xf32>
      %select_n3A_128 = arith.select %eq3A_120, %broadcast_in_dim3A_127, %get3A_125 : vector<16xi1>, vector<16xf32>
      %gt3A_129 = arith.cmpf ogt, %select_n3A_128, %select_n3A_114 : vector<16xf32>
      %select_n3A_130 = arith.select %gt3A_129, %select_n3A_128, %select_n3A_114 : vector<16xi1>, vector<16xf32>
      %jit3A_131 = arith.constant 2 : i32
      %broadcast_in_dim3A_132 = vector.broadcast %jit3A_131 : i32 to vector<16xi32>
      %select_n3A_133 = arith.select %gt3A_129, %broadcast_in_dim3A_132, %select_n3A_117 : vector<16xi1>, vector<16xi32>
      %eq3A_134 = arith.constant 3 : i32
      %eq3A_135 = vector.broadcast %eq3A_134 : i32 to vector<16xi32>
      %eq3A_136 = arith.cmpi eq, %select_n3A_82, %eq3A_135 : vector<16xi32>
      %get3A_137 = arith.constant 3 : i32
      %get3A_138 = arith.index_cast %get3A_137 : i32 to index
      %get3A_139 = arith.index_cast %mul3A_10 : i32 to index
      %get3A_140 = tpu.vector_load %arg5[%get3A_138, %get3A_139] {strides = array<i32>} : memref<8x1024xf32, #tpu.memory_space<vmem>>, vector<1x16xf32>,
      %get3A_141 = vector.shape_cast %get3A_140 : vector<1x16xf32> to vector<16xf32>
      %jit3A_142 = arith.constant 0xFF800000 : f32
      %broadcast_in_dim3A_143 = vector.broadcast %jit3A_142 : f32 to vector<16xf32>
      %select_n3A_144 = arith.select %eq3A_136, %broadcast_in_dim3A_143, %get3A_141 : vector<16xi1>, vector<16xf32>
      %gt3A_145 = arith.cmpf ogt, %select_n3A_144, %select_n3A_130 : vector<16xf32>
      %select_n3A_146 = arith.select %gt3A_145, %select_n3A_144, %select_n3A_130 : vector<16xi1>, vector<16xf32>
      %jit3A_147 = arith.constant 3 : i32
      %broadcast_in_dim3A_148 = vector.broadcast %jit3A_147 : i32 to vector<16xi32>
      %select_n3A_149 = arith.select %gt3A_145, %broadcast_in_dim3A_148, %select_n3A_133 : vector<16xi1>, vector<16xi32>
      %eq3A_150 = arith.constant 4 : i32
      %eq3A_151 = vector.broadcast %eq3A_150 : i32 to vector<16xi32>
      %eq3A_152 = arith.cmpi eq, %select_n3A_82, %eq3A_151 : vector<16xi32>
      %get3A_153 = arith.constant 4 : i32
      %get3A_154 = arith.index_cast %get3A_153 : i32 to index
      %get3A_155 = arith.index_cast %mul3A_10 : i32 to index
      %get3A_156 = tpu.vector_load %arg5[%get3A_154, %get3A_155] {strides = array<i32>} : memref<8x1024xf32, #tpu.memory_space<vmem>>, vector<1x16xf32>,
      %get3A_157 = vector.shape_cast %get3A_156 : vector<1x16xf32> to vector<16xf32>
      %jit3A_158 = arith.constant 0xFF800000 : f32
      %broadcast_in_dim3A_159 = vector.broadcast %jit3A_158 : f32 to vector<16xf32>
      %select_n3A_160 = arith.select %eq3A_152, %broadcast_in_dim3A_159, %get3A_157 : vector<16xi1>, vector<16xf32>
      %gt3A_161 = arith.cmpf ogt, %select_n3A_160, %select_n3A_146 : vector<16xf32>
      %select_n3A_162 = arith.select %gt3A_161, %select_n3A_160, %select_n3A_146 : vector<16xi1>, vector<16xf32>
      %jit3A_163 = arith.constant 4 : i32
      %broadcast_in_dim3A_164 = vector.broadcast %jit3A_163 : i32 to vector<16xi32>
      %select_n3A_165 = arith.select %gt3A_161, %broadcast_in_dim3A_164, %select_n3A_149 : vector<16xi1>, vector<16xi32>
      %eq3A_166 = arith.constant 5 : i32
      %eq3A_167 = vector.broadcast %eq3A_166 : i32 to vector<16xi32>
      %eq3A_168 = arith.cmpi eq, %select_n3A_82, %eq3A_167 : vector<16xi32>
      %get3A_169 = arith.constant 5 : i32
      %get3A_170 = arith.index_cast %get3A_169 : i32 to index
      %get3A_171 = arith.index_cast %mul3A_10 : i32 to index
      %get3A_172 = tpu.vector_load %arg5[%get3A_170, %get3A_171] {strides = array<i32>} : memref<8x1024xf32, #tpu.memory_space<vmem>>, vector<1x16xf32>,
      %get3A_173 = vector.shape_cast %get3A_172 : vector<1x16xf32> to vector<16xf32>
      %jit3A_174 = arith.constant 0xFF800000 : f32
      %broadcast_in_dim3A_175 = vector.broadcast %jit3A_174 : f32 to vector<16xf32>
      %select_n3A_176 = arith.select %eq3A_168, %broadcast_in_dim3A_175, %get3A_173 : vector<16xi1>, vector<16xf32>
      %gt3A_177 = arith.cmpf ogt, %select_n3A_176, %select_n3A_162 : vector<16xf32>
      %select_n3A_178 = arith.select %gt3A_177, %select_n3A_176, %select_n3A_162 : vector<16xi1>, vector<16xf32>
      %jit3A_179 = arith.constant 5 : i32
      %broadcast_in_dim3A_180 = vector.broadcast %jit3A_179 : i32 to vector<16xi32>
      %select_n3A_181 = arith.select %gt3A_177, %broadcast_in_dim3A_180, %select_n3A_165 : vector<16xi1>, vector<16xi32>
      %eq3A_182 = arith.constant 6 : i32
      %eq3A_183 = vector.broadcast %eq3A_182 : i32 to vector<16xi32>
      %eq3A_184 = arith.cmpi eq, %select_n3A_82, %eq3A_183 : vector<16xi32>
      %get3A_185 = arith.constant 6 : i32
      %get3A_186 = arith.index_cast %get3A_185 : i32 to index
      %get3A_187 = arith.index_cast %mul3A_10 : i32 to index
      %get3A_188 = tpu.vector_load %arg5[%get3A_186, %get3A_187] {strides = array<i32>} : memref<8x1024xf32, #tpu.memory_space<vmem>>, vector<1x16xf32>,
      %get3A_189 = vector.shape_cast %get3A_188 : vector<1x16xf32> to vector<16xf32>
      %jit3A_190 = arith.constant 0xFF800000 : f32
      %broadcast_in_dim3A_191 = vector.broadcast %jit3A_190 : f32 to vector<16xf32>
      %select_n3A_192 = arith.select %eq3A_184, %broadcast_in_dim3A_191, %get3A_189 : vector<16xi1>, vector<16xf32>
      %gt3A_193 = arith.cmpf ogt, %select_n3A_192, %select_n3A_178 : vector<16xf32>
      %select_n3A_194 = arith.select %gt3A_193, %select_n3A_192, %select_n3A_178 : vector<16xi1>, vector<16xf32>
      %jit3A_195 = arith.constant 6 : i32
      %broadcast_in_dim3A_196 = vector.broadcast %jit3A_195 : i32 to vector<16xi32>
      %select_n3A_197 = arith.select %gt3A_193, %broadcast_in_dim3A_196, %select_n3A_181 : vector<16xi1>, vector<16xi32>
      %eq3A_198 = arith.constant 7 : i32
      %eq3A_199 = vector.broadcast %eq3A_198 : i32 to vector<16xi32>
      %eq3A_200 = arith.cmpi eq, %select_n3A_82, %eq3A_199 : vector<16xi32>
      %get3A_201 = arith.constant 7 : i32
      %get3A_202 = arith.index_cast %get3A_201 : i32 to index
      %get3A_203 = arith.index_cast %mul3A_10 : i32 to index
      %get3A_204 = tpu.vector_load %arg5[%get3A_202, %get3A_203] {strides = array<i32>} : memref<8x1024xf32, #tpu.memory_space<vmem>>, vector<1x16xf32>,
      %get3A_205 = vector.shape_cast %get3A_204 : vector<1x16xf32> to vector<16xf32>
      %jit3A_206 = arith.constant 0xFF800000 : f32
      %broadcast_in_dim3A_207 = vector.broadcast %jit3A_206 : f32 to vector<16xf32>
      %select_n3A_208 = arith.select %eq3A_200, %broadcast_in_dim3A_207, %get3A_205 : vector<16xi1>, vector<16xf32>
      %gt3A_209 = arith.cmpf ogt, %select_n3A_208, %select_n3A_194 : vector<16xf32>
      %select_n3A_210 = arith.select %gt3A_209, %select_n3A_208, %select_n3A_194 : vector<16xi1>, vector<16xf32>
      %jit3A_211 = arith.constant 7 : i32
      %broadcast_in_dim3A_212 = vector.broadcast %jit3A_211 : i32 to vector<16xi32>
      %select_n3A_213 = arith.select %gt3A_209, %broadcast_in_dim3A_212, %select_n3A_197 : vector<16xi1>, vector<16xi32>
      %sub3A = arith.subf %select_n3A_210, %select_n3A_79 : vector<16xf32>
      %exp3A = math.exp %sub3A : vector<16xf32>
      %add3A_214 = arith.constant 1.000000e+00 : f32
      %add3A_215 = vector.broadcast %add3A_214 : f32 to vector<16xf32>
      %add3A_216 = arith.addf %add3A_215, %exp3A : vector<16xf32>
      %div3A = arith.constant 1.000000e+00 : f32
      %div3A_217 = vector.broadcast %div3A : f32 to vector<16xf32>
      %div3A_218 = arith.divf %div3A_217, %add3A_216 : vector<16xf32>
      %div3A_219 = arith.divf %exp3A, %add3A_216 : vector<16xf32>
      %eq3A_220 = arith.constant 0 : i32
      %eq3A_221 = vector.broadcast %eq3A_220 : i32 to vector<16xi32>
      %eq3A_222 = arith.cmpi eq, %select_n3A_82, %eq3A_221 : vector<16xi32>
      %eq3A_223 = arith.constant 0 : i32
      %eq3A_224 = vector.broadcast %eq3A_223 : i32 to vector<16xi32>
      %eq3A_225 = arith.cmpi eq, %select_n3A_213, %eq3A_224 : vector<16xi32>
      %jit3A_226 = arith.constant 0.000000e+00 : f32
      %broadcast_in_dim3A_227 = vector.broadcast %jit3A_226 : f32 to vector<16xf32>
      %select_n3A_228 = arith.select %eq3A_225, %div3A_219, %broadcast_in_dim3A_227 : vector<16xi1>, vector<16xf32>
      %select_n3A_229 = arith.select %eq3A_222, %div3A_218, %select_n3A_228 : vector<16xi1>, vector<16xf32>
      %swap3A = arith.constant 0 : i32
      %swap3A_230 = arith.index_cast %swap3A : i32 to index
      %swap3A_231 = arith.index_cast %mul3A_10 : i32 to index
      %swap3A_232 = tpu.vector_load %arg6[%swap3A_230, %swap3A_231] {strides = array<i32>} : memref<8x1024xf32, #tpu.memory_space<vmem>>, vector<1x16xf32>,
      %swap3A_233 = vector.shape_cast %swap3A_232 : vector<1x16xf32> to vector<16xf32>
      %swap3A_234 = vector.shape_cast %select_n3A_229 : vector<16xf32> to vector<1x16xf32>
      tpu.vector_store %arg6[%swap3A_230, %swap3A_231], %swap3A_234 {strides = array<i32>} : memref<8x1024xf32, #tpu.memory_space<vmem>>, vector<1x16xf32>,
      %eq3A_235 = arith.constant 1 : i32
      %eq3A_236 = vector.broadcast %eq3A_235 : i32 to vector<16xi32>
      %eq3A_237 = arith.cmpi eq, %select_n3A_82, %eq3A_236 : vector<16xi32>
      %eq3A_238 = arith.constant 1 : i32
      %eq3A_239 = vector.broadcast %eq3A_238 : i32 to vector<16xi32>
      %eq3A_240 = arith.cmpi eq, %select_n3A_213, %eq3A_239 : vector<16xi32>
      %jit3A_241 = arith.constant 0.000000e+00 : f32
      %broadcast_in_dim3A_242 = vector.broadcast %jit3A_241 : f32 to vector<16xf32>
      %select_n3A_243 = arith.select %eq3A_240, %div3A_219, %broadcast_in_dim3A_242 : vector<16xi1>, vector<16xf32>
      %select_n3A_244 = arith.select %eq3A_237, %div3A_218, %select_n3A_243 : vector<16xi1>, vector<16xf32>
      %swap3A_245 = arith.constant 1 : i32
      %swap3A_246 = arith.index_cast %swap3A_245 : i32 to index
      %swap3A_247 = arith.index_cast %mul3A_10 : i32 to index
      %swap3A_248 = tpu.vector_load %arg6[%swap3A_246, %swap3A_247] {strides = array<i32>} : memref<8x1024xf32, #tpu.memory_space<vmem>>, vector<1x16xf32>,
      %swap3A_249 = vector.shape_cast %swap3A_248 : vector<1x16xf32> to vector<16xf32>
      %swap3A_250 = vector.shape_cast %select_n3A_244 : vector<16xf32> to vector<1x16xf32>
      tpu.vector_store %arg6[%swap3A_246, %swap3A_247], %swap3A_250 {strides = array<i32>} : memref<8x1024xf32, #tpu.memory_space<vmem>>, vector<1x16xf32>,
      %eq3A_251 = arith.constant 2 : i32
      %eq3A_252 = vector.broadcast %eq3A_251 : i32 to vector<16xi32>
      %eq3A_253 = arith.cmpi eq, %select_n3A_82, %eq3A_252 : vector<16xi32>
      %eq3A_254 = arith.constant 2 : i32
      %eq3A_255 = vector.broadcast %eq3A_254 : i32 to vector<16xi32>
      %eq3A_256 = arith.cmpi eq, %select_n3A_213, %eq3A_255 : vector<16xi32>
      %jit3A_257 = arith.constant 0.000000e+00 : f32
      %broadcast_in_dim3A_258 = vector.broadcast %jit3A_257 : f32 to vector<16xf32>
      %select_n3A_259 = arith.select %eq3A_256, %div3A_219, %broadcast_in_dim3A_258 : vector<16xi1>, vector<16xf32>
      %select_n3A_260 = arith.select %eq3A_253, %div3A_218, %select_n3A_259 : vector<16xi1>, vector<16xf32>
      %swap3A_261 = arith.constant 2 : i32
      %swap3A_262 = arith.index_cast %swap3A_261 : i32 to index
      %swap3A_263 = arith.index_cast %mul3A_10 : i32 to index
      %swap3A_264 = tpu.vector_load %arg6[%swap3A_262, %swap3A_263] {strides = array<i32>} : memref<8x1024xf32, #tpu.memory_space<vmem>>, vector<1x16xf32>,
      %swap3A_265 = vector.shape_cast %swap3A_264 : vector<1x16xf32> to vector<16xf32>
      %swap3A_266 = vector.shape_cast %select_n3A_260 : vector<16xf32> to vector<1x16xf32>
      tpu.vector_store %arg6[%swap3A_262, %swap3A_263], %swap3A_266 {strides = array<i32>} : memref<8x1024xf32, #tpu.memory_space<vmem>>, vector<1x16xf32>,
      %eq3A_267 = arith.constant 3 : i32
      %eq3A_268 = vector.broadcast %eq3A_267 : i32 to vector<16xi32>
      %eq3A_269 = arith.cmpi eq, %select_n3A_82, %eq3A_268 : vector<16xi32>
      %eq3A_270 = arith.constant 3 : i32
      %eq3A_271 = vector.broadcast %eq3A_270 : i32 to vector<16xi32>
      %eq3A_272 = arith.cmpi eq, %select_n3A_213, %eq3A_271 : vector<16xi32>
      %jit3A_273 = arith.constant 0.000000e+00 : f32
      %broadcast_in_dim3A_274 = vector.broadcast %jit3A_273 : f32 to vector<16xf32>
      %select_n3A_275 = arith.select %eq3A_272, %div3A_219, %broadcast_in_dim3A_274 : vector<16xi1>, vector<16xf32>
      %select_n3A_276 = arith.select %eq3A_269, %div3A_218, %select_n3A_275 : vector<16xi1>, vector<16xf32>
      %swap3A_277 = arith.constant 3 : i32
      %swap3A_278 = arith.index_cast %swap3A_277 : i32 to index
      %swap3A_279 = arith.index_cast %mul3A_10 : i32 to index
      %swap3A_280 = tpu.vector_load %arg6[%swap3A_278, %swap3A_279] {strides = array<i32>} : memref<8x1024xf32, #tpu.memory_space<vmem>>, vector<1x16xf32>,
      %swap3A_281 = vector.shape_cast %swap3A_280 : vector<1x16xf32> to vector<16xf32>
      %swap3A_282 = vector.shape_cast %select_n3A_276 : vector<16xf32> to vector<1x16xf32>
      tpu.vector_store %arg6[%swap3A_278, %swap3A_279], %swap3A_282 {strides = array<i32>} : memref<8x1024xf32, #tpu.memory_space<vmem>>, vector<1x16xf32>,
      %eq3A_283 = arith.constant 4 : i32
      %eq3A_284 = vector.broadcast %eq3A_283 : i32 to vector<16xi32>
      %eq3A_285 = arith.cmpi eq, %select_n3A_82, %eq3A_284 : vector<16xi32>
      %eq3A_286 = arith.constant 4 : i32
      %eq3A_287 = vector.broadcast %eq3A_286 : i32 to vector<16xi32>
      %eq3A_288 = arith.cmpi eq, %select_n3A_213, %eq3A_287 : vector<16xi32>
      %jit3A_289 = arith.constant 0.000000e+00 : f32
      %broadcast_in_dim3A_290 = vector.broadcast %jit3A_289 : f32 to vector<16xf32>
      %select_n3A_291 = arith.select %eq3A_288, %div3A_219, %broadcast_in_dim3A_290 : vector<16xi1>, vector<16xf32>
      %select_n3A_292 = arith.select %eq3A_285, %div3A_218, %select_n3A_291 : vector<16xi1>, vector<16xf32>
      %swap3A_293 = arith.constant 4 : i32
      %swap3A_294 = arith.index_cast %swap3A_293 : i32 to index
      %swap3A_295 = arith.index_cast %mul3A_10 : i32 to index
      %swap3A_296 = tpu.vector_load %arg6[%swap3A_294, %swap3A_295] {strides = array<i32>} : memref<8x1024xf32, #tpu.memory_space<vmem>>, vector<1x16xf32>,
      %swap3A_297 = vector.shape_cast %swap3A_296 : vector<1x16xf32> to vector<16xf32>
      %swap3A_298 = vector.shape_cast %select_n3A_292 : vector<16xf32> to vector<1x16xf32>
      tpu.vector_store %arg6[%swap3A_294, %swap3A_295], %swap3A_298 {strides = array<i32>} : memref<8x1024xf32, #tpu.memory_space<vmem>>, vector<1x16xf32>,
      %eq3A_299 = arith.constant 5 : i32
      %eq3A_300 = vector.broadcast %eq3A_299 : i32 to vector<16xi32>
      %eq3A_301 = arith.cmpi eq, %select_n3A_82, %eq3A_300 : vector<16xi32>
      %eq3A_302 = arith.constant 5 : i32
      %eq3A_303 = vector.broadcast %eq3A_302 : i32 to vector<16xi32>
      %eq3A_304 = arith.cmpi eq, %select_n3A_213, %eq3A_303 : vector<16xi32>
      %jit3A_305 = arith.constant 0.000000e+00 : f32
      %broadcast_in_dim3A_306 = vector.broadcast %jit3A_305 : f32 to vector<16xf32>
      %select_n3A_307 = arith.select %eq3A_304, %div3A_219, %broadcast_in_dim3A_306 : vector<16xi1>, vector<16xf32>
      %select_n3A_308 = arith.select %eq3A_301, %div3A_218, %select_n3A_307 : vector<16xi1>, vector<16xf32>
      %swap3A_309 = arith.constant 5 : i32
      %swap3A_310 = arith.index_cast %swap3A_309 : i32 to index
      %swap3A_311 = arith.index_cast %mul3A_10 : i32 to index
      %swap3A_312 = tpu.vector_load %arg6[%swap3A_310, %swap3A_311] {strides = array<i32>} : memref<8x1024xf32, #tpu.memory_space<vmem>>, vector<1x16xf32>,
      %swap3A_313 = vector.shape_cast %swap3A_312 : vector<1x16xf32> to vector<16xf32>
      %swap3A_314 = vector.shape_cast %select_n3A_308 : vector<16xf32> to vector<1x16xf32>
      tpu.vector_store %arg6[%swap3A_310, %swap3A_311], %swap3A_314 {strides = array<i32>} : memref<8x1024xf32, #tpu.memory_space<vmem>>, vector<1x16xf32>,
      %eq3A_315 = arith.constant 6 : i32
      %eq3A_316 = vector.broadcast %eq3A_315 : i32 to vector<16xi32>
      %eq3A_317 = arith.cmpi eq, %select_n3A_82, %eq3A_316 : vector<16xi32>
      %eq3A_318 = arith.constant 6 : i32
      %eq3A_319 = vector.broadcast %eq3A_318 : i32 to vector<16xi32>
      %eq3A_320 = arith.cmpi eq, %select_n3A_213, %eq3A_319 : vector<16xi32>
      %jit3A_321 = arith.constant 0.000000e+00 : f32
      %broadcast_in_dim3A_322 = vector.broadcast %jit3A_321 : f32 to vector<16xf32>
      %select_n3A_323 = arith.select %eq3A_320, %div3A_219, %broadcast_in_dim3A_322 : vector<16xi1>, vector<16xf32>
      %select_n3A_324 = arith.select %eq3A_317, %div3A_218, %select_n3A_323 : vector<16xi1>, vector<16xf32>
      %swap3A_325 = arith.constant 6 : i32
      %swap3A_326 = arith.index_cast %swap3A_325 : i32 to index
      %swap3A_327 = arith.index_cast %mul3A_10 : i32 to index
      %swap3A_328 = tpu.vector_load %arg6[%swap3A_326, %swap3A_327] {strides = array<i32>} : memref<8x1024xf32, #tpu.memory_space<vmem>>, vector<1x16xf32>,
      %swap3A_329 = vector.shape_cast %swap3A_328 : vector<1x16xf32> to vector<16xf32>
      %swap3A_330 = vector.shape_cast %select_n3A_324 : vector<16xf32> to vector<1x16xf32>
      tpu.vector_store %arg6[%swap3A_326, %swap3A_327], %swap3A_330 {strides = array<i32>} : memref<8x1024xf32, #tpu.memory_space<vmem>>, vector<1x16xf32>,
      %eq3A_331 = arith.constant 7 : i32
      %eq3A_332 = vector.broadcast %eq3A_331 : i32 to vector<16xi32>
      %eq3A_333 = arith.cmpi eq, %select_n3A_82, %eq3A_332 : vector<16xi32>
      %eq3A_334 = arith.constant 7 : i32
      %eq3A_335 = vector.broadcast %eq3A_334 : i32 to vector<16xi32>
      %eq3A_336 = arith.cmpi eq, %select_n3A_213, %eq3A_335 : vector<16xi32>
      %jit3A_337 = arith.constant 0.000000e+00 : f32
      %broadcast_in_dim3A_338 = vector.broadcast %jit3A_337 : f32 to vector<16xf32>
      %select_n3A_339 = arith.select %eq3A_336, %div3A_219, %broadcast_in_dim3A_338 : vector<16xi1>, vector<16xf32>
      %select_n3A_340 = arith.select %eq3A_333, %div3A_218, %select_n3A_339 : vector<16xi1>, vector<16xf32>
      %swap3A_341 = arith.constant 7 : i32
      %swap3A_342 = arith.index_cast %swap3A_341 : i32 to index
      %swap3A_343 = arith.index_cast %mul3A_10 : i32 to index
      %swap3A_344 = tpu.vector_load %arg6[%swap3A_342, %swap3A_343] {strides = array<i32>} : memref<8x1024xf32, #tpu.memory_space<vmem>>, vector<1x16xf32>,
      %swap3A_345 = vector.shape_cast %swap3A_344 : vector<1x16xf32> to vector<16xf32>
      %swap3A_346 = vector.shape_cast %select_n3A_340 : vector<16xf32> to vector<1x16xf32>
      tpu.vector_store %arg6[%swap3A_342, %swap3A_343], %swap3A_346 {strides = array<i32>} : memref<8x1024xf32, #tpu.memory_space<vmem>>, vector<1x16xf32>,
      %swap3A_347 = arith.constant 0 : i32
      %swap3A_348 = arith.index_cast %swap3A_347 : i32 to index
      %swap3A_349 = arith.index_cast %mul3A_10 : i32 to index
      %swap3A_350 = tpu.vector_load %arg7[%swap3A_348, %swap3A_349] {strides = array<i32>} : memref<2x1024xi32, #tpu.memory_space<vmem>>, vector<1x16xi32>,
      %swap3A_351 = vector.shape_cast %swap3A_350 : vector<1x16xi32> to vector<16xi32>
      %swap3A_352 = vector.shape_cast %select_n3A_82 : vector<16xi32> to vector<1x16xi32>
      tpu.vector_store %arg7[%swap3A_348, %swap3A_349], %swap3A_352 {strides = array<i32>} : memref<2x1024xi32, #tpu.memory_space<vmem>>, vector<1x16xi32>,
      %swap3A_353 = arith.constant 1 : i32
      %swap3A_354 = arith.index_cast %swap3A_353 : i32 to index
      %swap3A_355 = arith.index_cast %mul3A_10 : i32 to index
      %swap3A_356 = tpu.vector_load %arg7[%swap3A_354, %swap3A_355] {strides = array<i32>} : memref<2x1024xi32, #tpu.memory_space<vmem>>, vector<1x16xi32>,
      %swap3A_357 = vector.shape_cast %swap3A_356 : vector<1x16xi32> to vector<16xi32>
      %swap3A_358 = vector.shape_cast %select_n3A_213 : vector<16xi32> to vector<1x16xi32>
      tpu.vector_store %arg7[%swap3A_354, %swap3A_355], %swap3A_358 {strides = array<i32>} : memref<2x1024xi32, #tpu.memory_space<vmem>>, vector<1x16xi32>,
    }
    %scan3A_7 = arith.constant 64 : i32
    "tpu.region"() ({
      %run_scoped3A = tpu.sem_alloc : memref<!tpu.dma_semaphore, #tpu.memory_space<semaphore_mem>>
      %dma_start3A = arith.constant 0 : i32
      %dma_start3A_8 = tpu.memref_slice %arg3[%dma_start3A, %mul3A_2] : memref<8x32768xf32, #tpu.memory_space<hbm>> -> memref<8x1024xf32, #tpu.memory_space<hbm>>
      %dma_start3A_9 = arith.constant 0 : i32
      %dma_start3A_10 = tpu.memref_slice %arg3[%dma_start3A_9, %mul3A_2] : memref<8x32768xf32, #tpu.memory_space<hbm>> -> memref<8x1024xf32, #tpu.memory_space<hbm>>
      tpu.enqueue_dma source(%arg6 : memref<8x1024xf32, #tpu.memory_space<vmem>>) target(%dma_start3A_10 : memref<8x1024xf32, #tpu.memory_space<hbm>>) target_semaphore(%run_scoped3A : memref<!tpu.dma_semaphore, #tpu.memory_space<semaphore_mem>>)
      %dma_wait3A = arith.constant 0 : i32
      %dma_wait3A_11 = tpu.memref_slice %arg3[%dma_wait3A, %mul3A_2] : memref<8x32768xf32, #tpu.memory_space<hbm>> -> memref<8x1024xf32, #tpu.memory_space<hbm>>
      %dma_wait3A_12 = arith.constant 0 : i32
      %dma_wait3A_13 = tpu.memref_slice %arg3[%dma_wait3A_12, %mul3A_2] : memref<8x32768xf32, #tpu.memory_space<hbm>> -> memref<8x1024xf32, #tpu.memory_space<hbm>>
      tpu.wait_dma2 semaphore(%run_scoped3A : memref<!tpu.dma_semaphore, #tpu.memory_space<semaphore_mem>>) src(%arg6 : memref<8x1024xf32, #tpu.memory_space<vmem>>) dst(%dma_wait3A_13 : memref<8x1024xf32, #tpu.memory_space<hbm>>)
      tpu.yield
    }) : () -> ()
    "tpu.region"() ({
      %run_scoped3A = tpu.sem_alloc : memref<!tpu.dma_semaphore, #tpu.memory_space<semaphore_mem>>
      %dma_start3A = arith.constant 0 : i32
      %dma_start3A_8 = tpu.memref_slice %arg4[%dma_start3A, %mul3A_2] : memref<2x32768xi32, #tpu.memory_space<hbm>> -> memref<2x1024xi32, #tpu.memory_space<hbm>>
      %dma_start3A_9 = arith.constant 0 : i32
      %dma_start3A_10 = tpu.memref_slice %arg4[%dma_start3A_9, %mul3A_2] : memref<2x32768xi32, #tpu.memory_space<hbm>> -> memref<2x1024xi32, #tpu.memory_space<hbm>>
      tpu.enqueue_dma source(%arg7 : memref<2x1024xi32, #tpu.memory_space<vmem>>) target(%dma_start3A_10 : memref<2x1024xi32, #tpu.memory_space<hbm>>) target_semaphore(%run_scoped3A : memref<!tpu.dma_semaphore, #tpu.memory_space<semaphore_mem>>)
      %dma_wait3A = arith.constant 0 : i32
      %dma_wait3A_11 = tpu.memref_slice %arg4[%dma_wait3A, %mul3A_2] : memref<2x32768xi32, #tpu.memory_space<hbm>> -> memref<2x1024xi32, #tpu.memory_space<hbm>>
      %dma_wait3A_12 = arith.constant 0 : i32
      %dma_wait3A_13 = tpu.memref_slice %arg4[%dma_wait3A_12, %mul3A_2] : memref<2x32768xi32, #tpu.memory_space<hbm>> -> memref<2x1024xi32, #tpu.memory_space<hbm>>
      tpu.wait_dma2 semaphore(%run_scoped3A : memref<!tpu.dma_semaphore, #tpu.memory_space<semaphore_mem>>) src(%arg7 : memref<2x1024xi32, #tpu.memory_space<vmem>>) dst(%dma_wait3A_13 : memref<2x1024xi32, #tpu.memory_space<hbm>>)
      tpu.yield
    }) : () -> ()
    return
  }
}

module attributes {stable_mosaic.version = 14 : i64} {
  func.func @_logits_kernel(%arg0: i32, %arg1: memref<4096x768xf32, #tpu.memory_space<vmem>>, %arg2: memref<8x768xf32, #tpu.memory_space<vmem>>, %arg3: memref<1x8xf32, #tpu.memory_space<vmem>>, %arg4: memref<8x4096xf32, #tpu.memory_space<vmem>>) attributes {dimension_semantics = [#tpu.dimension_semantics<arbitrary>], iteration_bounds = array<i64: 8>, scalar_prefetch = 0 : i64, scratch_operands = 0 : i64, tpu.core_type = #tpu.core_type<tc>, window_params = [{transform_indices = @transform_0, window_bounds = array<i64: 4096, 768>}, {pipeline_mode = #tpu.pipeline_mode<synchronous>, transform_indices = @transform_1, window_bounds = array<i64: 8, 768>}, {pipeline_mode = #tpu.pipeline_mode<synchronous>, transform_indices = @transform_2, window_bounds = array<i64: 1, 8>}, {transform_indices = @transform_3, window_bounds = array<i64: 8, 4096>}]} {
    %get3A = arith.constant 0 : index
    %get3A_0 = arith.constant 0 : index
    %get3A_1 = vector.load %arg1[%get3A, %get3A_0] : memref<4096x768xf32, #tpu.memory_space<vmem>>, vector<4096x768xf32>
    %get3A_2 = arith.constant 0 : index
    %get3A_3 = arith.constant 0 : index
    %get3A_4 = vector.load %arg2[%get3A_2, %get3A_3] : memref<8x768xf32, #tpu.memory_space<vmem>>, vector<8x768xf32>
    %get3A_5 = arith.constant 0 : index
    %get3A_6 = arith.constant 0 : index
    %get3A_7 = vector.load %arg3[%get3A_5, %get3A_6] : memref<1x8xf32, #tpu.memory_space<vmem>>, vector<1x8xf32>
    %dot_general3A = arith.constant dense<0.000000e+00> : vector<4096x8xf32>
    %dot_general3A_8 = tpu.matmul %get3A_1, %get3A_4, %dot_general3A {dimension_numbers = #tpu.dot_dimension_numbers<[1], [1], [0], [0], [0, 0, 1, 0], [], []>, transpose_lhs_hint = false} : vector<4096x768xf32>, vector<8x768xf32>, vector<4096x8xf32> -> vector<4096x8xf32>
    %transpose3A = tpu.transpose %dot_general3A_8, [1, 0] : vector<4096x8xf32> -> vector<8x4096xf32>
    %transpose3A_9 = tpu.transpose %get3A_7, [1, 0] : vector<1x8xf32> -> vector<8x1xf32>
    %add3A = vector.broadcast %transpose3A_9 : vector<8x1xf32> to vector<8x4096xf32>
    %add3A_10 = arith.addf %transpose3A, %add3A : vector<8x4096xf32>
    %swap3A = arith.constant 0 : index
    %swap3A_11 = arith.constant 0 : index
    %swap3A_12 = vector.load %arg4[%swap3A, %swap3A_11] : memref<8x4096xf32, #tpu.memory_space<vmem>>, vector<8x4096xf32>
    tpu.vector_store %arg4[%swap3A, %swap3A_11], %add3A_10 {strides = array<i32>} : memref<8x4096xf32, #tpu.memory_space<vmem>>, vector<8x4096xf32>,
    return
  }
  func.func @transform_0(%arg0: i32) -> (i32, i32) {
    %c0_i32 = arith.constant 0 : i32
    %c0_i32_0 = arith.constant 0 : i32
    return %arg0, %c0_i32 : i32, i32
  }
  func.func @transform_1(%arg0: i32) -> (i32, i32) {
    %c0_i32 = arith.constant 0 : i32
    %c0_i32_0 = arith.constant 0 : i32
    %c0_i32_1 = arith.constant 0 : i32
    return %c0_i32, %c0_i32_0 : i32, i32
  }
  func.func @transform_2(%arg0: i32) -> (i32, i32) {
    %c0_i32 = arith.constant 0 : i32
    %c0_i32_0 = arith.constant 0 : i32
    %c0_i32_1 = arith.constant 0 : i32
    return %c0_i32, %c0_i32_0 : i32, i32
  }
  func.func @transform_3(%arg0: i32) -> (i32, i32) {
    %c0_i32 = arith.constant 0 : i32
    %c0_i32_0 = arith.constant 0 : i32
    return %c0_i32, %arg0 : i32, i32
  }
}

</mosaic_0001>

<sc_bundles>
// kernel: kernel.4.cloned.1.call-start
scs
__scs_entry_jumppad:
0x0: {  	(pc) =	sbr.rel $0x88, $3  }
0x1: {  	(tag) =	ssettag $0x0;
	lr =	simm.s32 $0x1  }
0x2: {  	[smem:$0x3F9E] =	sst lr;
	_ =	strace $0xD0000000  }
0x3: {  	_ = 	snop  }
0x4: {  	_ = 	snop  }
0x5: {  	_ = 	snop  }
0x6: {  	_ = 	snop  }
0x7: {  	_ = 	snop  }
__scs_overlays_trampoline_lowered:
0x8: {  	[smem:$0x3FAD] =	sst s0  }
0x9: {  	[smem:$0x3FAE] =	sst s1  }
0xa: {  	[smem:$0x3FAF] =	sst s2  }
0xb: {  	[smem:$0x3FB0] =	sst s3  }
0xc: {  	[smem:$0x3FB1] =	sst s4  }
0xd: {  	[smem:$0x3FB2] =	sst s5  }
0xe: {  	[smem:$0x3FB3] =	sst s6  }
0xf: {  	[smem:$0x3FB4] =	sst s7  }
0x10: {  	[smem:$0x3FB5] =	sst s8  }
0x11: {  	[smem:$0x3FB6] =	sst s9;
	s0 =	simm.s32 @!p0 $0x0  }
0x12: {  	s1 =	sld [smem:$0x3F9C];
	s0 =	simm.s32 @p0 $0x1  }
0x13: {  	[smem:$0x3FB7] =	sst s0;
	s0 =	simm.s32 @!p1 $0x0  }
0x14: {  	s2 =	sld [smem:$0x3F9B];
	s0 =	simm.s32 @p1 $0x1  }
0x15: {  	[smem:$0x3FB8] =	sst s0;
	s0 =	simm.s32 @!p2 $0x0  }
0x16: {  	s3 =	sld [smem:$0x3FDB];
	s0 =	simm.s32 @p2 $0x1  }
0x17: {  	s4 =	simm.s32 $0x1BF5;
	[smem:$0x3FBA] =	sst s0  }
0x18: {  	s0 =	sld [smem:$0x3F9D];
	_ =	swait.ge [sflag:s4], $0x0  }
0x19: {  	s7 =	sld [smem:$0x3F9E]  }
0x1a: {  	s8 =	sadd.s32 $0xFFFFE003, lr  }
0x1b: {  	s9 =	sadd.s32 $0xFFFFFEF7, lr;
	s5 =	simm.s32 $0xFFFFFFFF;
	p2 =	slt.u32 s8, $0xFFFFF086  }
0x1c: {  	p1 =	slt.u32 s9, $0xF7A;
	s5 =	simm.s32 @!p2 $0x0  }
0x1d: {  	s5 =	simm.s32 @p1 $0x1;
	p0 =	seq.s32 s7, s2  }
0x1e: {  	s7 =	smul.u32 @!p0 $0xF7A, s2;
	p2 =	seq.s32 @!p0 s5, $0x0  }
0x1f: {  	s9 =	smul.u32 $0xF7A, s1;
	s8 =	simm.s32 @!p0 $0x1BF5;
	p2 =	por !p2, p0  }
0x20: {  	[sflag:s8] =	ssyncset.s32 @!p0 $0xFFFFF086;
	s6 =	sadd.s32 @!p0 s3, s7;
	s7 =	simm.s32 @!p0 $0x108  }
0x21: {  	s3 =	sadd.s32 s3, s9;
	s6 =	sadd.s32 @!p0 $0x88, s6;
	s7 =	simm.s32 @p2 $0x1082  }
0x22: {  	[simem:s7], [sflag:s8] =	dma.local @!p0 [hbm:s6], $0xF7A  }
0x23: {  	s9 =	sor.u32 $0xD0000000, s2;
	s6 =	simm.s32 $0x108;
	_ =	swait.ge @!p0 [sflag:s8], $0x0  }
0x24: {  	s3 =	sadd.s32 $0x88, s3;
	s6 =	simm.s32 @!p1 $0x1082;
	[sflag:s4] =	ssyncset.s32 $0xFFFFF086  }
0x25: {  	[simem:s6], [sflag:s4] =	dma.local [hbm:s3], $0xF7A  }
0x26: {  	[smem:$0x3F9E] =	sst s1;
	(tag) =	ssettag s2;
	_ =	strace s9  }
0x27: {  	s1 =	sld [smem:$0x3FAE]  }
0x28: {  	s2 =	sld [smem:$0x3FAF]  }
0x29: {  	s4 =	sld [smem:$0x3FB1]  }
0x2a: {  	p0 =	seq.s32 s5, $0x0;
	s5 =	sld [smem:$0x3FB2]  }
0x2b: {  	s6 =	sld [smem:$0x3FB3]  }
0x2c: {  	s7 =	sld [smem:$0x3FB4]  }
0x2d: {  	s3 =	simm.s32 $0x108;
	s8 =	sld [smem:$0x3FB5]  }
0x2e: {  	s3 =	simm.s32 @!p0 $0x1082;
	s9 =	sld [smem:$0x3FB6]  }
0x2f: {  	lr =	sadd.s32 s0, s3;
	s0 =	sld [smem:$0x3FAD]  }
0x30: {  	s3 =	sld [smem:$0x3FB0]  }
0x31: {  	[smem:$0x3FB9] =	sst s10  }
0x32: {  	s10 =	sld [smem:$0x3FB7];
	_ =	sdelay $0x3  }
0x33: {  	p0 =	seq.s32 s10, $0x1;
	s10 =	sld [smem:$0x3FB9];
	_ =	sdelay $0x3  }
0x34: {  	[smem:$0x3FB9] =	sst s10  }
0x35: {  	s10 =	sld [smem:$0x3FB8];
	_ =	sdelay $0x3  }
0x36: {  	p1 =	seq.s32 s10, $0x1;
	s10 =	sld [smem:$0x3FB9];
	_ =	sdelay $0x3  }
0x37: {  	[smem:$0x3FB9] =	sst s10  }
0x38: {  	s10 =	sld [smem:$0x3FBA]  }
0x39: {  	_ = 	snop;
	(pc) =	sbr.ind lr, $3  }
0x3a: {  	_ = 	snop  }
0x3b: {  	_ = 	snop  }
0x3c: {  	p2 =	seq.s32 s10, $0x1;
	s10 =	sld [smem:$0x3FB9]  }
0x3d: {  	_ =	shalt  }
0x3e: {  	_ =	shalt  }
0x3f: {  	_ =	shalt  }
0x40: {  	_ =	shalt  }
0x41: {  	_ =	shalt  }
0x42: {  	_ =	shalt  }
0x43: {  	_ =	shalt  }
0x44: {  	_ =	shalt  }
0x45: {  	_ =	shalt  }
0x46: {  	_ =	shalt  }
0x47: {  	_ =	shalt  }
0x48: {  	_ =	shalt  }
0x49: {  	_ =	shalt  }
0x4a: {  	_ =	shalt  }
0x4b: {  	_ =	shalt  }
0x4c: {  	_ =	shalt  }
0x4d: {  	_ =	shalt  }
0x4e: {  	_ =	shalt  }
0x4f: {  	_ =	shalt  }
0x50: {  	_ =	shalt  }
0x51: {  	_ =	shalt  }
0x52: {  	_ =	shalt  }
0x53: {  	_ =	shalt  }
0x54: {  	_ =	shalt  }
0x55: {  	_ =	shalt  }
0x56: {  	_ =	shalt  }
0x57: {  	_ =	shalt  }
0x58: {  	_ =	shalt  }
0x59: {  	_ =	shalt  }
0x5a: {  	_ =	shalt  }
0x5b: {  	_ =	shalt  }
0x5c: {  	_ =	shalt  }
0x5d: {  	_ =	shalt  }
0x5e: {  	_ =	shalt  }
0x5f: {  	_ =	shalt  }
0x60: {  	_ =	shalt  }
0x61: {  	_ =	shalt  }
0x62: {  	_ =	shalt  }
0x63: {  	_ =	shalt  }
0x64: {  	_ =	shalt  }
0x65: {  	_ =	shalt  }
0x66: {  	_ =	shalt  }
0x67: {  	_ =	shalt  }
0x68: {  	_ =	shalt  }
0x69: {  	_ =	shalt  }
0x6a: {  	_ =	shalt  }
0x6b: {  	_ =	shalt  }
0x6c: {  	_ =	shalt  }
0x6d: {  	_ =	shalt  }
0x6e: {  	_ =	shalt  }
0x6f: {  	_ =	shalt  }
0x70: {  	_ =	shalt  }
0x71: {  	_ =	shalt  }
0x72: {  	_ =	shalt  }
0x73: {  	_ =	shalt  }
0x74: {  	_ =	shalt  }
0x75: {  	_ =	shalt  }
0x76: {  	_ =	shalt  }
0x77: {  	_ =	shalt  }
0x78: {  	_ =	shalt  }
0x79: {  	_ =	shalt  }
0x7a: {  	_ =	shalt  }
0x7b: {  	_ =	shalt  }
0x7c: {  	_ =	shalt  }
0x7d: {  	_ =	shalt  }
0x7e: {  	_ =	shalt  }
0x7f: {  	_ =	shalt  }
0x80: {  	_ =	shalt  }
0x81: {  	_ =	shalt  }
0x82: {  	_ =	shalt  }
0x83: {  	_ =	shalt  }
0x84: {  	_ =	shalt  }
0x85: {  	_ =	shalt  }
0x86: {  	_ =	shalt  }
0x87: {  	_ =	shalt  }
.Lfunc_end0:
.L_simem_size_0:
called_computation_lowered:
.L_overlay_start_0:
0x88: {  	s2 =	sld [smem:$0x3FD9]  }
0x89: {  	s3 =	sld [smem:$0x3FFE];
	_ =	sdelay $0x1  }
0x8a: {  	s1 =	srdreg.scid  }
0x8b: {  	s0 =	sand.u32 $0x1, s1  }
0x8c: {  	s14 =	sshll.u32 s0, $0xA;
	s2 =	sadd.s32 s3, s2  }
0x8d: {  	s2 =	sadd.s32 s2, s14  }
0x8e: {  	[smem:$0x3FC5] =	sst s2  }
0x8f: {  	_ = 	snop  }
0x90: {  	s2 =	sld [smem:$0x3FD0];
	_ =	sdelay $0x2  }
0x91: {  	s15 =	simm.s32 $0xA;
	s4 =	simm.s32 $0x10  }
0x92: {  	[smem:s4], [sflag:s15] =	dma.local [hbm:s2], $0x1  }
0x93: {  	_ =	swait.eq [sflag:s15], $0x1  }
0x94: {  	[sflag:s15] =	ssyncset.done $0x0  }
0x95: {  	s16 =	sld [smem:$0x10];
	[sflag:s15] =	ssyncadd.s32 $0xFFFFFFFF  }
0x96: {  	s17 =	sld [smem:$0x11];
	(tm) =	ssettm $0x1  }
0x97: {  	s18 =	sld [smem:$0x3FFB];
	_ =	sdelay $0x3  }
0x98: {  	_ =	strace s18  }
0x99: {  	s4 =	sld [smem:$0x3FFC];
	_ =	sdelay $0x3  }
0x9a: {  	_ =	strace s4  }
0x9b: {  	s4 =	sld [smem:$0x3FFD];
	_ =	sdelay $0x3  }
0x9c: {  	_ =	strace s4  }
0x9d: {  	_ =	strace $0x8FFFFFFF  }
0x9e: {  	s19 =	sld [smem:$0x3FDB];
	_ =	sdelay $0x1  }
0x9f: {  	s5 =	simm.s32 $_scs_section_size  }
0xa0: {  	s6 =	simm.s32 $_size__tile_overlayer_lowered;
	s7 =	simm.s32 $_tile_overlayer_lowered  }
0xa1: {  	s22 =	simm.s32 $0x1BFF;
	s21 =	sshll.u32 s7, $0x1;
	s4 =	sadd.s32 s5, s19  }
0xa2: {  	s8 =	simm.s32 $0x0;
	s20 =	sshll.u32 s6, $0x1;
	s6 =	sadd.s32 s21, s4  }
0xa3: {  	[timem:s8], [sflag:s22] =	dma.local [hbm:s6], s20  }
0xa4: {  	_ =	swait.ge [sflag:s22], s20  }
0xa5: {  	s5 =	ssub.s32 $0x0, s20;
	[sflag:s22] =	ssyncset.done $0x0  }
0xa6: {  	[sflag:s22] =	ssyncadd.s32 s5;
	_ =	sdelay $0x1  }
0xa7: {  	s23 =	simm.s32 $0x1B8B  }
0xa8: {  	_ =	swait.ge [sflag:s23], $0x1  }
0xa9: {  	[sflag:s23] =	ssyncset.done $0x0  }
0xaa: {  	s25 =	simm.s32 $0x1B8E;
	s24 =	sld [smem:$0x3FFE];
	[sflag:s23] =	ssyncadd.s32 $0xFFFFFFFF  }
0xab: {  	s26 =	simm.s32 $execute0_lowered;
	[smem:$0x3FD2] =	sst s25  }
0xac: {  	s6 =	sshll.u32 s26, $0x1;
	_ =	strace $0x80000046;
	[dreg:$0x1] =	wrdreg $0xFFFFFFFF  }
0xad: {  	s28 =	simm.s32 $_size_execute0_lowered;
	s4 =	sadd.s32 s4, s6;
	[dreg:$0x0] =	wrdreg $0x0  }
0xae: {  	s6 =	sshll.u32 s28, $0x1;
	[dreg:$0x2] =	wrdreg s4  }
0xaf: {  	[dreg:$0x3] =	wrdreg s6  }
0xb0: {  	[dreg:$0x4] =	wrdreg $0xC0  }
0xb1: {  	_ =	task [dreg:s8], $0x5FFFF  }
0xb2: {  	[dreg:$0x1] =	wrdreg $0xFFFFFFFF  }
0xb3: {  	[dreg:$0x0] =	wrdreg $0x60  }
0xb4: {  	[dreg:$0x2] =	wrdreg s24  }
0xb5: {  	[dreg:$0x3] =	wrdreg s16  }
0xb6: {  	[dreg:$0x4] =	wrdreg s17  }
0xb7: {  	[dreg:$0x5] =	wrdreg $0x9  }
0xb8: {  	_ =	task.clear_ibuf [dreg:s8], $0x6FFFF;
	_ =	strace $0x90000046  }
0xb9: {  	s29 =	simm.s32 $0x9;
	_ =	strace $0x80000048  }
0xba: {  	_ =	swait.ge [sflag:s29], $0x1  }
0xbb: {  	[sflag:s29] =	ssyncadd.s32 $0xFFFFFFFF  }
0xbc: {  	_ =	strace $0x90000048  }
0xbd: {  	_ =	sfence  }
0xbe: {  	s30 =	sld [smem:$0x0];
	_ =	sdelay $0x2  }
0xbf: {  	s31 =	sshll.u32 s1, $0xD;
	s1 =	sshrl.u32 s1, $0x2  }
0xc0: {  	s3 =	sand.u32 $0x4000, s31;
	s1 =	sadd.s32 s1, s30  }
0xc1: {  	s0 =	sor.u32 s3, s0;
	s1 =	sshll.u32 s1, $0x11  }
0xc2: {  	s0 =	sor.u32 s1, s0  }
0xc3: {  	s0 =	sadd.s32 $0x8F2B, s0  }
0xc4: {  	[sflag:s0] =	ssyncadd.remote.s32 $0x1  }
0xc5: {  	_ =	sfence.sel $0xFFFF  }
0xc6: {  	[dreg:$0x0] =	wrdreg $0xFFFFFFFF;
	(pc) =	sbr.abs _section_cstart, $3  }
0xc7: {  	[dreg:$0x1] =	wrdreg $0xFFFFFFFF  }
0xc8: {  	_ =	task.clear_ibuf [dreg:s8], $0x2FFFF;
	_ =	strace $0x9FFFFFFF  }
0xc9: {  	(tm) =	ssettm $0x7FFFFFFF  }
tec
execute0_lowered:
.L_overlay_start_1:
0x0: {  	(tag) =	ssettag $0x1  }
0x1: {  	s3 =	rddreg [dreg:$0x0]  }
0x2: {  	s4 =	rddreg [dreg:$0x1]  }
0x3: {  	s5 =	rddreg [dreg:$0x2]  }
0x4: {  	s0 =	rddreg [dreg:$0x3];
	s6 =	srdreg.scid  }
0x5: {  	s2 =	simm.s32 $0x0;
	s1 =	stileid.u32;
	s9 =	simm.s32 $0x4000  }
0x6: {  	s10 =	simm.s32 $0x0;
	s6 =	sand.u32 $0x1, s6;
	s7 =	sshll.u32 s1, $0xB  }
0x7: {  	[smem:$0x7FF] =	sst s2;
	s8 =	sshll.u32 s6, $0xA;
	s6 =	ssub.s32 $0x2, s6  }
0x8: {  	_ =	strace $0x80000047;
	s7 =	sor.u32 s8, s7;
	s31 =	sshrl.u32 s6, $0x1  }
0x9: {  	s8 =	simm.s32 $0x2000;
	s3 =	sadd.s32 s7, s3;
	s6 =	ssub.s32 s6, s31  }
0xa: {  	s4 =	sadd.s32 s4, s7;
	s7 =	sshrl.u32 s7, $0x2;
	s3 =	sadd.s32 $0xE00, s3  }
0xb: {  	v0 =	vimm.s32 $0x0;
	s5 =	sadd.s32 s5, s7;
	s6 =	smax.u32 s6, $0x1;
	s7 =	simm.s32 $0x1  }
.LBB2_1:
0xc: {  	[tilespmem:s2], [sflag:$0x1] =	stream.linear.gather [hbm4b:s3+s2], $0x2000, $0x38;
	[tilespmem:$0x4800] =	vst v63  }
0xd: {  	_ =	swait.ge [sflag:s7], $0x2000  }
0xe: {  	s11 =	sand.u32 $0x70, s2;
	s14 =	sand.u32 $0x7FFFFC00, s2;
	[sflag:s7] =	ssyncset.done $0x0  }
0xf: {  	s12 =	sor.u32 s11, s14;
	[sflag:s7] =	ssyncadd.s32 $0xFFFFE000  }
0x10: {  	v2 =	vld [tilespmem:s12+$0x0]  }
0x11: {  	v3 =	vld [tilespmem:s12+$0x80];
	_ =	sdelay $0x1  }
0x12: {  	v4 =	vld [tilespmem:s12+$0x100];
	_ =	sdelay $0x1  }
0x13: {  	v5 =	vld [tilespmem:s12+$0x180]  }
0x14: {  	vm0 =	vgt.f32 v3, v2  }
0x15: {  	v6 =	vld [tilespmem:s12+$0x200];
	v1 =	vsel vm0, v3, v2  }
0x16: {  	vm1 =	vgt.f32 v4, v1  }
0x17: {  	v7 =	vld [tilespmem:s12+$0x280];
	v1 =	vsel vm1, v4, v1  }
0x18: {  	vm2 =	vgt.f32 v5, v1  }
0x19: {  	s13 =	sor.u32 s2, s2;
	v8 =	vld [tilespmem:s12+$0x300];
	v1 =	vsel vm2, v5, v1  }
0x1a: {  	s13 =	sor.u32 $0x380, s13;
	vm3 =	vgt.f32 v6, v1  }
0x1b: {  	v9 =	vld [tilespmem:s13+$0x0];
	v1 =	vsel vm3, v6, v1  }
0x1c: {  	v10 =	vsel vm0, $0x1, v0;
	vm0 =	vgt.f32 v7, v1  }
0x1d: {  	v10 =	vsel vm1, $0x2, v10;
	v1 =	vsel vm0, v7, v1  }
0x1e: {  	v10 =	vsel vm2, $0x3, v10;
	vm5 =	vgt.f32 v8, v1  }
0x1f: {  	v10 =	vsel vm3, $0x4, v10;
	v11 =	vsel vm5, v8, v1  }
0x20: {  	v1 =	vsel vm0, $0x5, v10;
	vm0 =	vgt.f32 v9, v11  }
0x21: {  	v1 =	vsel vm5, $0x6, v1;
	vm0 =	vmneg vm0  }
0x22: {  	v1 =	vnsel vm0, $0x7, v1  }
0x23: {  	vm7 =	veq.s32 v1, $0x0  }
0x24: {  	v2 =	vsel vm7, $0xFF800000, v2  }
0x25: {  	vm1 =	veq.s32 v1, $0x1;
	vm2 =	vgt.f32 v2, $-Inf  }
0x26: {  	v3 =	vsel vm1, $0xFF800000, v3;
	v2 =	vnsel vm2, $0xFF800000, v2  }
0x27: {  	vm2 =	veq.s32 v1, $0x2;
	vm6 =	vgt.f32 v3, v2  }
0x28: {  	v4 =	vsel vm2, $0xFF800000, v4;
	v2 =	vsel vm6, v3, v2  }
0x29: {  	vm8 =	veq.s32 v1, $0x3;
	vm9 =	vgt.f32 v4, v2  }
0x2a: {  	v3 =	vsel vm8, $0xFF800000, v5;
	v2 =	vsel vm9, v4, v2  }
0x2b: {  	vm3 =	veq.s32 v1, $0x4;
	vm10 =	vgt.f32 v3, v2  }
0x2c: {  	v4 =	vsel vm3, $0xFF800000, v6;
	v2 =	vsel vm10, v3, v2  }
0x2d: {  	vm4 =	veq.s32 v1, $0x5;
	vm11 =	vgt.f32 v4, v2  }
0x2e: {  	v3 =	vsel vm4, $0xFF800000, v7;
	v2 =	vsel vm11, v4, v2  }
0x2f: {  	vm5 =	vmand vm5, vm0;
	vm12 =	vgt.f32 v3, v2  }
0x30: {  	v4 =	vsel vm5, $0xFF800000, v8;
	v2 =	vsel vm12, v3, v2  }
0x31: {  	vm13 =	vgt.f32 v4, v2  }
0x32: {  	v3 =	vnsel vm0, $0xFF800000, v9;
	v2 =	vsel vm13, v4, v2  }
0x33: {  	vm14 =	vgt.f32 v3, v2  }
0x34: {  	vm14 =	vmneg vm14  }
0x35: {  	v4 =	vsel vm0, v11, v9;
	v2 =	vsel vm14, v2, v3  }
0x36: {  	v2 =	vsub.f32 v2, v4;
	_ =	sdelay $0x1  }
0x37: {  	v2 =	vmul.f32 $1.442695020e+00, v2;
	_ =	sdelay $0x1  }
0x38: {  	(erf) = vpow2.f32 v2;
	_ =	sdelay $0x8  }
0x39: {  	v4 =	vpop (erf)  }
0x3a: {  	v2 =	vadd.f32 $1.000000000e+00, v4;
	_ =	sdelay $0x1  }
0x3b: {  	(erf) = vrcp.f32 v2;
	_ =	sdelay $0x2  }
0x3c: {  	v2 =	vsel vm6, $0x1, v0  }
0x3d: {  	v2 =	vsel vm9, $0x2, v2  }
0x3e: {  	v2 =	vsel vm10, $0x3, v2  }
0x3f: {  	v2 =	vsel vm11, $0x4, v2  }
0x40: {  	v2 =	vsel vm12, $0x5, v2  }
0x41: {  	v2 =	vsel vm13, $0x6, v2  }
0x42: {  	vm6 =	vmand vm13, vm14;
	v2 =	vnsel vm14, $0x7, v2;
	v3 =	vpop (erf)  }
0x43: {  	vm10 =	veq.s32 v2, $0x0;
	vm9 =	veq.s32 v2, $0x5;
	v4 =	vmul.f32 v3, v4  }
0x44: {  	vm11 =	veq.s32 v2, $0x1;
	vm12 =	veq.s32 v2, $0x2;
	vm13 =	veq.s32 v2, $0x3  }
0x45: {  	v5 =	vnsel vm10, $0x0, v4;
	v6 =	vnsel vm11, $0x0, v4;
	vm10 =	veq.s32 v2, $0x4  }
0x46: {  	v9 =	vnsel vm13, $0x0, v4;
	v8 =	vnsel vm12, $0x0, v4;
	v7 =	vsel vm7, v3, v5  }
0x47: {  	s15 =	simm.s32 $0x80;
	s16 =	simm.s32 $0x0;
	s14 =	sshrl.u32 s14, $0x2;
	v5 =	vsel vm14, $0x0, v4;
	v9 =	vsel vm8, v3, v9;
	[tilespmem:s12+$0x2000] =	vst v7;
	v7 =	vnsel vm10, $0x0, v4  }
.LBB2_2:
0x48: {  	p0 =	sne.s32 s15, $0x1F80  }
0x49: {  	v6 =	vsel vm1, v3, v6;
	v8 =	vsel vm2, v3, v8;
	[tilespmem:s12+$0x2180] =	vst v9;
	v9 =	vnsel vm9, $0x0, v4;
	s16 =	sadd.s32 $0x10, s16;
	s17 =	smov.u32 s15;
	s15 =	sadd.s32 $0x80, s15  }
0x4a: {  	v4 =	vnsel vm6, $0x0, v4;
	[tilespmem:s12+$0x2080] =	vst v6;
	v6 =	vsel vm3, v3, v7;
	v7 =	vsel vm4, v3, v9  }
0x4b: {  	v4 =	vsel vm5, v3, v4;
	v3 =	vsel vm0, v5, v3;
	[tilespmem:s12+$0x2100] =	vst v8  }
0x4c: {  	[tilespmem:s12+$0x2300] =	vst v4  }
0x4d: {  	[tilespmem:s12+$0x2200] =	vst v6  }
0x4e: {  	[tilespmem:s12+$0x2280] =	vst v7  }
0x4f: {  	[tilespmem:s13+$0x2000] =	vst v3;
	s13 =	sor.u32 s11, s14  }
0x50: {  	s11 =	sand.u32 $0x70, s16;
	s14 =	sand.u32 $0x7FFFFC00, s17;
	[tilespmem:s13+$0x4000] =	vst v1  }
0x51: {  	s12 =	sor.u32 s11, s14;
	s14 =	sshrl.u32 s14, $0x2;
	[tilespmem:s13+$0x4080] =	vst v2  }
0x52: {  	v2 =	vld [tilespmem:s12+$0x0]  }
0x53: {  	v3 =	vld [tilespmem:s12+$0x80];
	_ =	sdelay $0x1  }
0x54: {  	v4 =	vld [tilespmem:s12+$0x100];
	_ =	sdelay $0x1  }
0x55: {  	v5 =	vld [tilespmem:s12+$0x180]  }
0x56: {  	vm0 =	vgt.f32 v3, v2  }
0x57: {  	v1 =	vsel vm0, v3, v2;
	v6 =	vld [tilespmem:s12+$0x200]  }
0x58: {  	vm1 =	vgt.f32 v4, v1  }
0x59: {  	v1 =	vsel vm1, v4, v1;
	v7 =	vld [tilespmem:s12+$0x280]  }
0x5a: {  	vm2 =	vgt.f32 v5, v1  }
0x5b: {  	s13 =	sor.u32 s17, s16;
	v1 =	vsel vm2, v5, v1;
	v8 =	vld [tilespmem:s12+$0x300]  }
0x5c: {  	s13 =	sor.u32 $0x380, s13;
	vm3 =	vgt.f32 v6, v1  }
0x5d: {  	v9 =	vsel vm0, $0x1, v0;
	v1 =	vsel vm3, v6, v1;
	v10 =	vld [tilespmem:s13+$0x0]  }
0x5e: {  	v9 =	vsel vm1, $0x2, v9;
	vm0 =	vgt.f32 v7, v1  }
0x5f: {  	v9 =	vsel vm2, $0x3, v9;
	v1 =	vsel vm0, v7, v1  }
0x60: {  	v9 =	vsel vm3, $0x4, v9;
	vm5 =	vgt.f32 v8, v1  }
0x61: {  	v9 =	vsel vm0, $0x5, v9;
	v1 =	vsel vm5, v8, v1  }
0x62: {  	v9 =	vsel vm5, $0x6, v9;
	vm0 =	vgt.f32 v10, v1  }
0x63: {  	vm0 =	vmneg vm0  }
0x64: {  	v11 =	vsel vm0, v1, v10;
	v1 =	vnsel vm0, $0x7, v9  }
0x65: {  	vm7 =	veq.s32 v1, $0x0  }
0x66: {  	vm1 =	veq.s32 v1, $0x1;
	v2 =	vsel vm7, $0xFF800000, v2  }
0x67: {  	v3 =	vsel vm1, $0xFF800000, v3;
	vm2 =	vgt.f32 v2, $-Inf  }
0x68: {  	v2 =	vnsel vm2, $0xFF800000, v2;
	vm2 =	veq.s32 v1, $0x2  }
0x69: {  	vm9 =	vgt.f32 v3, v2;
	v4 =	vsel vm2, $0xFF800000, v4  }
0x6a: {  	vm8 =	veq.s32 v1, $0x3;
	v2 =	vsel vm9, v3, v2  }
0x6b: {  	v3 =	vsel vm8, $0xFF800000, v5;
	vm10 =	vgt.f32 v4, v2  }
0x6c: {  	vm3 =	veq.s32 v1, $0x4;
	v2 =	vsel vm10, v4, v2  }
0x6d: {  	v4 =	vsel vm3, $0xFF800000, v6;
	vm12 =	vgt.f32 v3, v2  }
0x6e: {  	vm4 =	veq.s32 v1, $0x5;
	v2 =	vsel vm12, v3, v2  }
0x6f: {  	v3 =	vsel vm4, $0xFF800000, v7;
	vm13 =	vgt.f32 v4, v2  }
0x70: {  	vm5 =	vmand vm5, vm0;
	v2 =	vsel vm13, v4, v2  }
0x71: {  	v4 =	vsel vm5, $0xFF800000, v8;
	vm14 =	vgt.f32 v3, v2  }
0x72: {  	v2 =	vsel vm14, v3, v2  }
0x73: {  	v3 =	vnsel vm0, $0xFF800000, v10;
	vm15 =	vgt.f32 v4, v2  }
0x74: {  	v2 =	vsel vm15, v4, v2  }
0x75: {  	vm6 =	vgt.f32 v3, v2  }
0x76: {  	vm11 =	vmneg vm6  }
0x77: {  	v2 =	vsel vm11, v2, v3;
	vm6 =	vmand vm15, vm11  }
0x78: {  	v2 =	vsub.f32 v2, v11;
	_ =	sdelay $0x1  }
0x79: {  	v2 =	vmul.f32 $1.442695020e+00, v2;
	_ =	sdelay $0x1  }
0x7a: {  	(erf) = vpow2.f32 v2;
	_ =	sdelay $0x8  }
0x7b: {  	v4 =	vpop (erf)  }
0x7c: {  	v2 =	vadd.f32 $1.000000000e+00, v4;
	_ =	sdelay $0x1  }
0x7d: {  	(erf) = vrcp.f32 v2;
	_ =	sdelay $0x2  }
0x7e: {  	v2 =	vsel vm9, $0x1, v0  }
0x7f: {  	v2 =	vsel vm10, $0x2, v2  }
0x80: {  	v2 =	vsel vm12, $0x3, v2  }
0x81: {  	v2 =	vsel vm13, $0x4, v2  }
0x82: {  	v2 =	vsel vm14, $0x5, v2  }
0x83: {  	v2 =	vsel vm15, $0x6, v2  }
0x84: {  	v2 =	vnsel vm11, $0x7, v2;
	v3 =	vpop (erf)  }
.Ltmp0:
0x85: {  	vm10 =	veq.s32 v2, $0x0;
	vm9 =	veq.s32 v2, $0x5;
	v4 =	vmul.f32 v3, v4;
	(pc) =	sbr.rel @p0 .LBB2_2-.Ltmp0, $4  }
0x86: {  	vm12 =	veq.s32 v2, $0x1;
	vm13 =	veq.s32 v2, $0x2;
	vm14 =	veq.s32 v2, $0x3  }
0x87: {  	v5 =	vnsel vm10, $0x0, v4;
	v6 =	vnsel vm12, $0x0, v4;
	vm10 =	veq.s32 v2, $0x4  }
0x88: {  	v9 =	vnsel vm14, $0x0, v4;
	v7 =	vsel vm7, v3, v5;
	v5 =	vsel vm11, $0x0, v4  }
0x89: {  	v8 =	vnsel vm13, $0x0, v4;
	v9 =	vsel vm8, v3, v9;
	[tilespmem:s12+$0x2000] =	vst v7;
	v7 =	vnsel vm10, $0x0, v4  }
0x8a: {  	v6 =	vsel vm1, v3, v6;
	[tilespmem:s12+$0x2180] =	vst v9  }
0x8b: {  	v8 =	vsel vm2, v3, v8;
	[tilespmem:s12+$0x2080] =	vst v6  }
0x8c: {  	v62 =	vnsel vm6, $0x0, v4;
	v7 =	vsel vm3, v3, v7;
	[tilespmem:s12+$0x2100] =	vst v8  }
0x8d: {  	v63 =	vnsel vm9, $0x0, v4;
	v6 =	vsel vm5, v3, v62;
	[tilespmem:s12+$0x2200] =	vst v7  }
0x8e: {  	v4 =	vsel vm4, v3, v63;
	[tilespmem:s12+$0x2300] =	vst v6  }
0x8f: {  	v3 =	vsel vm0, v5, v3;
	[tilespmem:s12+$0x2280] =	vst v4  }
0x90: {  	s11 =	sor.u32 s11, s14;
	[tilespmem:s13+$0x2000] =	vst v3  }
0x91: {  	[tilespmem:s11+$0x4000] =	vst v1  }
0x92: {  	[tilespmem:s11+$0x4080] =	vst v2  }
0x93: {  	[hbm4b:s4+s2] =	stream.linear.scatter [tilespmem:s8], [sflag:$0x1], $0x2000, $0x38;
	[tilespmem:$0x4800] =	vst v63  }
0x94: {  	s10 =	sadd.s32 $0x1, s10;
	_ =	swait.ge [sflag:s7], $0x2000  }
0x95: {  	p0 =	sne.s32 s10, s6;
	[sflag:s7] =	ssyncset.done $0x0  }
.Ltmp1:
0x96: {  	[sflag:s7] =	ssyncadd.s32 $0xFFFFE000;
	(pc) =	sbr.rel @p0 .LBB2_1-.Ltmp1, $4  }
0x97: {  	[hbm4b:s5+s2] =	stream.linear.scatter [tilespmem:s9], [sflag:$0x1], $0x800, $0x38;
	[tilespmem:$0x4800] =	vst v63  }
0x98: {  	_ =	swait.ge [sflag:s7], $0x800  }
0x99: {  	[sflag:s7] =	ssyncset.done $0x0  }
0x9a: {  	[sflag:s7] =	ssyncadd.s32 $0xFFFFF800  }
0x9b: {  	_ =	sfence.sel $0x180000  }
0x9c: {  	[bflag:$0x0] =	sbarrier.arrive $0xFFFF  }
0x9d: {  	p0 =	sne.s32 s1, $0x0;
	_ =	strace $0x90000047  }
0x9e: {  	s0 =	sadd.s32 @!p0 $0x100000, s0;
	[bflag:$0x2] =	sbarrier.arrive $0xFFFF  }
0x9f: {  	[sflag:s0] =	ssyncadd.tile.s32 @!p0 $0x1;
	_ =	shalt  }
.Lfunc_end2:
_tile_overlayer_lowered:
.L_overlay_start_2:
0xa0: {  	(tag) =	ssettag $0x2  }
0xa1: {  	s0 =	rddreg [dreg:$0x0];
	s2 =	stileid.u32  }
0xa2: {  	s1 =	rddreg [dreg:$0x1];
	p0 =	sne.s32 s2, $0x0  }
0xa3: {  	s3 =	rddreg [dreg:$0x2];
	[bflag:$0x3] =	sbarrier.arrive $0xFFFF;
	s2 =	simm.s32 @!p0 $0x1C01  }
0xa4: {  	[timem:s3], [sflag:s2] =	dma.local @!p0 [hbm:s0], s1  }
0xa5: {  	s0 =	simm.s32 @!p0 $0x1  }
0xa6: {  	_ =	swait.ge @!p0 [sflag:s0], s1  }
0xa7: {  	s1 =	ssub.s32 @!p0 $0x0, s1;
	[sflag:s0] =	ssyncset.done @!p0 $0x0  }
0xa8: {  	[sflag:s0] =	ssyncadd.s32 @!p0 s1  }
0xa9: {  	[bflag:$0x3] =	sbarrier.arrive $0xFFFF  }
0xaa: {  	_ =	shalt  }

</sc_bundles>
